<compile_context>
chip_gen: v7x
topology: tpu7x:2x2x1
jax: 0.10.2.dev20260603
libtpu: 0.0.44.dev20260713+nightly
codegen_flags: <defaults>
</compile_context>

<pallas_src>
import functools

import jax
import jax.numpy as jnp
from jax import lax
from jax.experimental import pallas as pl
from jax.experimental.pallas import tpu as pltpu
from jax.experimental.pallas import tpu_sc as plsc

_NUM_ROWS = 100000
_ROW = 30


def _lookup_body(x_hbm, table_hbm, out_hbm, x_v):
    c = lax.axis_index("c")
    s = lax.axis_index("s")

    @pl.when(jnp.logical_and(c == 0, s == 0))
    def _():
        pltpu.sync_copy(x_hbm, x_v.at[pl.ds(0, 1)])
        y = x_v[...][0] * jnp.float32(_NUM_ROWS - 1)
        n = y.astype(jnp.int32)
        f = y - n.astype(jnp.float32)
        half = jnp.float32(0.5)
        up = jnp.logical_or(f > half,
                            jnp.logical_and(f == half, (n & 1) == 1))
        idx = n + up.astype(jnp.int32)
        pltpu.sync_copy(table_hbm.at[pl.ds(idx, 1)], out_hbm)


@jax.jit
def _lookup(x, table):
    mesh = plsc.VectorSubcoreMesh(
        core_axis_name="c", subcore_axis_name="s", num_cores=1)
    return pl.kernel(
        _lookup_body,
        mesh=mesh,
        out_type=jax.ShapeDtypeStruct((1, _ROW), jnp.float32),
        scratch_types=[
            pltpu.VMEM((16,), jnp.float32),
        ],
    )(x.reshape(1), table)


def kernel(x, table):
    return _lookup(x, table).reshape(6, 5)

# --- scband reference (transcript-rebuilt; emitter-appended) ---
"""Pipeline reference for scband-hyper-network-20830591385782 (READ-ONLY COPY).

The authoritative reference and input builder live on the scoring server;
editing this copy changes nothing except your own understanding.
"""

import jax, jax.numpy as jnp
import numpy as np

NUM_INTERVALS = 100000
EMB_DIM = 30


def setup_inputs(seed: int = 0) -> dict:
    key = jax.random.key(seed)
    k1, k2 = jax.random.split(key)
    # x[0][0] is a scalar in [0, 1); only this element is used by the module.
    x = jax.random.uniform(k1, (1, 1), dtype=jnp.float32)
    # Learned embedding table sized per init_kwargs (num_intervals x 30).
    table = jax.random.normal(k2, (NUM_INTERVALS, EMB_DIM), dtype=jnp.float32)
    return {"x": x, "table": table}


def reference(x, table):
    # id = round(x[0][0] * (num_intervals - 1)) -> integer index into the table
    idx = jnp.round(x[0][0] * (NUM_INTERVALS - 1)).astype(jnp.int32)
    # embedding lookup (gather one row), then reshape to (6, 5)
    emb = jnp.take(table, idx, axis=0)
    return emb.reshape(6, 5)

if __name__ == "__main__":
    import jax
    _d = setup_inputs()
    print(jax.jit(kernel)(*tuple(_d.values())))

</pallas_src>

<mosaic_0001>
#map = affine_map<(d0, d1) -> (0)>
#map1 = affine_map<(d0, d1) -> (0, 0)>
module attributes {stable_mosaic.version = 14 : i64} {
  func.func @_lookup_body(%arg0: i32, %arg1: i32, %arg2: memref<1xf32, #tpu.memory_space<hbm>>, %arg3: memref<100000x30xf32, #tpu.memory_space<hbm>>, %arg4: memref<1x30xf32, #tpu.memory_space<hbm>>, %arg5: memref<16xf32, #tpu.memory_space<vmem>>) attributes {dimension_semantics = [#tpu.dimension_semantics<core_parallel>, #tpu.dimension_semantics<subcore_parallel>], iteration_bounds = array<i64: 1, 16>, scalar_prefetch = 0 : i64, scratch_operands = 1 : i64, tpu.core_type = #tpu.core_type<sc_vector_subcore>, window_params = [{transform_indices = #map}, {transform_indices = #map1}, {transform_indices = #map1}]} {
    %eq3A = arith.constant 0 : i32
    %eq3A_0 = arith.cmpi eq, %arg0, %eq3A : i32
    %eq3A_1 = arith.constant 0 : i32
    %eq3A_2 = arith.cmpi eq, %arg1, %eq3A_1 : i32
    %and3A = arith.andi %eq3A_0, %eq3A_2 : i1
    %convert_element_type3A = arith.extui %and3A : i1 to i32
    %cond3A = arith.constant 0 : i32
    %cond3A_3 = arith.cmpi ne, %convert_element_type3A, %cond3A : i32
    scf.if %cond3A_3 {
      "tpu.region"() ({
        %run_scoped3A = tpu.sem_alloc : memref<!tpu.dma_semaphore, #tpu.memory_space<semaphore_mem>>
        %dma_start3A = arith.constant 0 : i32
        %dma_start3A_18 = tpu.memref_slice %arg5[%dma_start3A] : memref<16xf32, #tpu.memory_space<vmem>> -> memref<1xf32, #tpu.memory_space<vmem>>
        %dma_start3A_19 = arith.constant 0 : i32
        %dma_start3A_20 = tpu.memref_slice %arg5[%dma_start3A_19] : memref<16xf32, #tpu.memory_space<vmem>> -> memref<1xf32, #tpu.memory_space<vmem>>
        tpu.enqueue_dma source(%arg2 : memref<1xf32, #tpu.memory_space<hbm>>) target(%dma_start3A_20 : memref<1xf32, #tpu.memory_space<vmem>>) target_semaphore(%run_scoped3A : memref<!tpu.dma_semaphore, #tpu.memory_space<semaphore_mem>>)
        %dma_wait3A = arith.constant 0 : i32
        %dma_wait3A_21 = tpu.memref_slice %arg5[%dma_wait3A] : memref<16xf32, #tpu.memory_space<vmem>> -> memref<1xf32, #tpu.memory_space<vmem>>
        %dma_wait3A_22 = arith.constant 0 : i32
        %dma_wait3A_23 = tpu.memref_slice %arg5[%dma_wait3A_22] : memref<16xf32, #tpu.memory_space<vmem>> -> memref<1xf32, #tpu.memory_space<vmem>>
        tpu.wait_dma2 semaphore(%run_scoped3A : memref<!tpu.dma_semaphore, #tpu.memory_space<semaphore_mem>>) src(%arg2 : memref<1xf32, #tpu.memory_space<hbm>>) dst(%dma_wait3A_23 : memref<1xf32, #tpu.memory_space<vmem>>)
        tpu.yield
      }) : () -> ()
      %get3A = arith.constant 0 : index
      %get3A_4 = tpu.vector_load %arg5[%get3A] {strides = array<i32>} : memref<16xf32, #tpu.memory_space<vmem>>, vector<16xf32>,
      %get3A_5 = vector.shape_cast %get3A_4 : vector<16xf32> to vector<16xf32>
      %slice3A = vector.extract_strided_slice %get3A_5 {offsets = [0], sizes = [1], strides = [1]} : vector<16xf32> to vector<1xf32>
      %squeeze3A = vector.extract %slice3A[0] : f32 from vector<1xf32>
      %mul3A = arith.constant 9.999900e+04 : f32
      %mul3A_6 = arith.mulf %squeeze3A, %mul3A : f32
      %convert_element_type3A_7 = arith.fptosi %mul3A_6 : f32 to i32
      %convert_element_type3A_8 = arith.sitofp %convert_element_type3A_7 : i32 to f32
      %sub3A = arith.subf %mul3A_6, %convert_element_type3A_8 : f32
      %gt3A = arith.constant 5.000000e-01 : f32
      %gt3A_9 = arith.cmpf ogt, %sub3A, %gt3A : f32
      %eq3A_10 = arith.constant 5.000000e-01 : f32
      %eq3A_11 = arith.cmpf oeq, %sub3A, %eq3A_10 : f32
      %and3A_12 = arith.constant 1 : i32
      %and3A_13 = arith.andi %convert_element_type3A_7, %and3A_12 : i32
      %eq3A_14 = arith.constant 1 : i32
      %eq3A_15 = arith.cmpi eq, %and3A_13, %eq3A_14 : i32
      %and3A_16 = arith.andi %eq3A_11, %eq3A_15 : i1
      %or3A = arith.ori %gt3A_9, %and3A_16 : i1
      %convert_element_type3A_17 = arith.extui %or3A : i1 to i32
      %add3A = arith.addi %convert_element_type3A_7, %convert_element_type3A_17 : i32
      "tpu.region"() ({
        %run_scoped3A = tpu.sem_alloc : memref<!tpu.dma_semaphore, #tpu.memory_space<semaphore_mem>>
        %dma_start3A = arith.constant 0 : i32
        %dma_start3A_18 = tpu.memref_slice %arg3[%add3A, %dma_start3A] : memref<100000x30xf32, #tpu.memory_space<hbm>> -> memref<1x30xf32, #tpu.memory_space<hbm>>
        tpu.enqueue_dma source(%dma_start3A_18 : memref<1x30xf32, #tpu.memory_space<hbm>>) target(%arg4 : memref<1x30xf32, #tpu.memory_space<hbm>>) target_semaphore(%run_scoped3A : memref<!tpu.dma_semaphore, #tpu.memory_space<semaphore_mem>>)
        %dma_wait3A = arith.constant 0 : i32
        %dma_wait3A_19 = tpu.memref_slice %arg3[%add3A, %dma_wait3A] : memref<100000x30xf32, #tpu.memory_space<hbm>> -> memref<1x30xf32, #tpu.memory_space<hbm>>
        tpu.wait_dma2 semaphore(%run_scoped3A : memref<!tpu.dma_semaphore, #tpu.memory_space<semaphore_mem>>) src(%dma_wait3A_19 : memref<1x30xf32, #tpu.memory_space<hbm>>) dst(%arg4 : memref<1x30xf32, #tpu.memory_space<hbm>>)
        tpu.yield
      }) : () -> ()
    } else {
    }
    return
  }
}

</mosaic_0001>

<sc_bundles>
// kernel: _lookup.3.cloned.1.call-start
scs
__scs_entry_jumppad:
0x0: {  	(pc) =	sbr.rel $0x88, $3  }
0x1: {  	(tag) =	ssettag $0x0;
	lr =	simm.s32 $0x1  }
0x2: {  	[smem:$0x3F9F] =	sst lr;
	_ =	strace $0xD0000000  }
0x3: {  	_ = 	snop  }
0x4: {  	_ = 	snop  }
0x5: {  	_ = 	snop  }
0x6: {  	_ = 	snop  }
0x7: {  	_ = 	snop  }
__scs_overlays_trampoline_lowered:
0x8: {  	[smem:$0x3FAE] =	sst s0  }
0x9: {  	[smem:$0x3FAF] =	sst s1  }
0xa: {  	[smem:$0x3FB0] =	sst s2  }
0xb: {  	[smem:$0x3FB1] =	sst s3  }
0xc: {  	[smem:$0x3FB2] =	sst s4  }
0xd: {  	[smem:$0x3FB3] =	sst s5  }
0xe: {  	[smem:$0x3FB4] =	sst s6  }
0xf: {  	[smem:$0x3FB5] =	sst s7  }
0x10: {  	[smem:$0x3FB6] =	sst s8  }
0x11: {  	[smem:$0x3FB7] =	sst s9;
	s0 =	simm.s32 @!p0 $0x0  }
0x12: {  	s1 =	sld [smem:$0x3F9D];
	s0 =	simm.s32 @p0 $0x1  }
0x13: {  	[smem:$0x3FB8] =	sst s0;
	s0 =	simm.s32 @!p1 $0x0  }
0x14: {  	s2 =	sld [smem:$0x3F9C];
	s0 =	simm.s32 @p1 $0x1  }
0x15: {  	[smem:$0x3FB9] =	sst s0;
	s0 =	simm.s32 @!p2 $0x0  }
0x16: {  	s3 =	sld [smem:$0x3FDB];
	s0 =	simm.s32 @p2 $0x1  }
0x17: {  	s4 =	simm.s32 $0x1BF5;
	[smem:$0x3FBB] =	sst s0  }
0x18: {  	s0 =	sld [smem:$0x3F9E];
	_ =	swait.ge [sflag:s4], $0x0  }
0x19: {  	s7 =	sld [smem:$0x3F9F]  }
0x1a: {  	s8 =	sadd.s32 $0xFFFFE003, lr  }
0x1b: {  	s9 =	sadd.s32 $0xFFFFFEF7, lr;
	s5 =	simm.s32 $0xFFFFFFFF;
	p2 =	slt.u32 s8, $0xFFFFF086  }
0x1c: {  	p1 =	slt.u32 s9, $0xF7A;
	s5 =	simm.s32 @!p2 $0x0  }
0x1d: {  	s5 =	simm.s32 @p1 $0x1;
	p0 =	seq.s32 s7, s2  }
0x1e: {  	s7 =	smul.u32 @!p0 $0xF7A, s2;
	p2 =	seq.s32 @!p0 s5, $0x0  }
0x1f: {  	s9 =	smul.u32 $0xF7A, s1;
	s8 =	simm.s32 @!p0 $0x1BF5;
	p2 =	por !p2, p0  }
0x20: {  	[sflag:s8] =	ssyncset.s32 @!p0 $0xFFFFF086;
	s6 =	sadd.s32 @!p0 s3, s7;
	s7 =	simm.s32 @!p0 $0x108  }
0x21: {  	s3 =	sadd.s32 s3, s9;
	s6 =	sadd.s32 @!p0 $0x88, s6;
	s7 =	simm.s32 @p2 $0x1082  }
0x22: {  	[simem:s7], [sflag:s8] =	dma.local @!p0 [hbm:s6], $0xF7A  }
0x23: {  	s9 =	sor.u32 $0xD0000000, s2;
	s6 =	simm.s32 $0x108;
	_ =	swait.ge @!p0 [sflag:s8], $0x0  }
0x24: {  	s3 =	sadd.s32 $0x88, s3;
	s6 =	simm.s32 @!p1 $0x1082;
	[sflag:s4] =	ssyncset.s32 $0xFFFFF086  }
0x25: {  	[simem:s6], [sflag:s4] =	dma.local [hbm:s3], $0xF7A  }
0x26: {  	[smem:$0x3F9F] =	sst s1;
	(tag) =	ssettag s2;
	_ =	strace s9  }
0x27: {  	s1 =	sld [smem:$0x3FAF]  }
0x28: {  	s2 =	sld [smem:$0x3FB0]  }
0x29: {  	s4 =	sld [smem:$0x3FB2]  }
0x2a: {  	p0 =	seq.s32 s5, $0x0;
	s5 =	sld [smem:$0x3FB3]  }
0x2b: {  	s6 =	sld [smem:$0x3FB4]  }
0x2c: {  	s7 =	sld [smem:$0x3FB5]  }
0x2d: {  	s3 =	simm.s32 $0x108;
	s8 =	sld [smem:$0x3FB6]  }
0x2e: {  	s3 =	simm.s32 @!p0 $0x1082;
	s9 =	sld [smem:$0x3FB7]  }
0x2f: {  	lr =	sadd.s32 s0, s3;
	s0 =	sld [smem:$0x3FAE]  }
0x30: {  	s3 =	sld [smem:$0x3FB1]  }
0x31: {  	[smem:$0x3FBA] =	sst s10  }
0x32: {  	s10 =	sld [smem:$0x3FB8];
	_ =	sdelay $0x3  }
0x33: {  	p0 =	seq.s32 s10, $0x1;
	s10 =	sld [smem:$0x3FBA];
	_ =	sdelay $0x3  }
0x34: {  	[smem:$0x3FBA] =	sst s10  }
0x35: {  	s10 =	sld [smem:$0x3FB9];
	_ =	sdelay $0x3  }
0x36: {  	p1 =	seq.s32 s10, $0x1;
	s10 =	sld [smem:$0x3FBA];
	_ =	sdelay $0x3  }
0x37: {  	[smem:$0x3FBA] =	sst s10  }
0x38: {  	s10 =	sld [smem:$0x3FBB]  }
0x39: {  	_ = 	snop;
	(pc) =	sbr.ind lr, $3  }
0x3a: {  	_ = 	snop  }
0x3b: {  	_ = 	snop  }
0x3c: {  	p2 =	seq.s32 s10, $0x1;
	s10 =	sld [smem:$0x3FBA]  }
0x3d: {  	_ =	shalt  }
0x3e: {  	_ =	shalt  }
0x3f: {  	_ =	shalt  }
0x40: {  	_ =	shalt  }
0x41: {  	_ =	shalt  }
0x42: {  	_ =	shalt  }
0x43: {  	_ =	shalt  }
0x44: {  	_ =	shalt  }
0x45: {  	_ =	shalt  }
0x46: {  	_ =	shalt  }
0x47: {  	_ =	shalt  }
0x48: {  	_ =	shalt  }
0x49: {  	_ =	shalt  }
0x4a: {  	_ =	shalt  }
0x4b: {  	_ =	shalt  }
0x4c: {  	_ =	shalt  }
0x4d: {  	_ =	shalt  }
0x4e: {  	_ =	shalt  }
0x4f: {  	_ =	shalt  }
0x50: {  	_ =	shalt  }
0x51: {  	_ =	shalt  }
0x52: {  	_ =	shalt  }
0x53: {  	_ =	shalt  }
0x54: {  	_ =	shalt  }
0x55: {  	_ =	shalt  }
0x56: {  	_ =	shalt  }
0x57: {  	_ =	shalt  }
0x58: {  	_ =	shalt  }
0x59: {  	_ =	shalt  }
0x5a: {  	_ =	shalt  }
0x5b: {  	_ =	shalt  }
0x5c: {  	_ =	shalt  }
0x5d: {  	_ =	shalt  }
0x5e: {  	_ =	shalt  }
0x5f: {  	_ =	shalt  }
0x60: {  	_ =	shalt  }
0x61: {  	_ =	shalt  }
0x62: {  	_ =	shalt  }
0x63: {  	_ =	shalt  }
0x64: {  	_ =	shalt  }
0x65: {  	_ =	shalt  }
0x66: {  	_ =	shalt  }
0x67: {  	_ =	shalt  }
0x68: {  	_ =	shalt  }
0x69: {  	_ =	shalt  }
0x6a: {  	_ =	shalt  }
0x6b: {  	_ =	shalt  }
0x6c: {  	_ =	shalt  }
0x6d: {  	_ =	shalt  }
0x6e: {  	_ =	shalt  }
0x6f: {  	_ =	shalt  }
0x70: {  	_ =	shalt  }
0x71: {  	_ =	shalt  }
0x72: {  	_ =	shalt  }
0x73: {  	_ =	shalt  }
0x74: {  	_ =	shalt  }
0x75: {  	_ =	shalt  }
0x76: {  	_ =	shalt  }
0x77: {  	_ =	shalt  }
0x78: {  	_ =	shalt  }
0x79: {  	_ =	shalt  }
0x7a: {  	_ =	shalt  }
0x7b: {  	_ =	shalt  }
0x7c: {  	_ =	shalt  }
0x7d: {  	_ =	shalt  }
0x7e: {  	_ =	shalt  }
0x7f: {  	_ =	shalt  }
0x80: {  	_ =	shalt  }
0x81: {  	_ =	shalt  }
0x82: {  	_ =	shalt  }
0x83: {  	_ =	shalt  }
0x84: {  	_ =	shalt  }
0x85: {  	_ =	shalt  }
0x86: {  	_ =	shalt  }
0x87: {  	_ =	shalt  }
.Lfunc_end0:
.L_simem_size_0:
called_computation_lowered:
.L_overlay_start_0:
0x88: {  	s0 =	sld [smem:$0x3FD9]  }
0x89: {  	s1 =	sld [smem:$0x3FFE];
	_ =	sdelay $0x3  }
0x8a: {  	s0 =	sadd.s32 s1, s0  }
0x8b: {  	[smem:$0x3FC6] =	sst s0  }
0x8c: {  	_ = 	snop  }
0x8d: {  	s0 =	sld [smem:$0x3FC9]  }
0x8e: {  	s16 =	sld [smem:$0x3FD0];
	(tm) =	ssettm $0x1  }
0x8f: {  	s2 =	sld [smem:$0x3FFB];
	_ =	sdelay $0x3  }
0x90: {  	_ =	strace s2  }
0x91: {  	s2 =	sld [smem:$0x3FFC];
	_ =	sdelay $0x3  }
0x92: {  	_ =	strace s2  }
0x93: {  	s2 =	sld [smem:$0x3FFD];
	_ =	sdelay $0x3  }
0x94: {  	_ =	strace s2  }
0x95: {  	_ =	strace $0x8FFFFFFF  }
0x96: {  	s17 =	sld [smem:$0x3FDB];
	_ =	sdelay $0x1  }
0x97: {  	s3 =	simm.s32 $_scs_section_size  }
0x98: {  	s4 =	simm.s32 $_size__tile_overlayer_lowered;
	s5 =	simm.s32 $_tile_overlayer_lowered  }
0x99: {  	s20 =	simm.s32 $0x1BFF;
	s19 =	sshll.u32 s5, $0x1;
	s2 =	sadd.s32 s3, s17  }
0x9a: {  	s6 =	simm.s32 $0x0;
	s18 =	sshll.u32 s4, $0x1;
	s4 =	sadd.s32 s19, s2  }
0x9b: {  	[timem:s6], [sflag:s20] =	dma.local [hbm:s4], s18  }
0x9c: {  	_ =	swait.ge [sflag:s20], s18  }
0x9d: {  	s3 =	ssub.s32 $0x0, s18;
	[sflag:s20] =	ssyncset.done $0x0  }
0x9e: {  	[sflag:s20] =	ssyncadd.s32 s3;
	_ =	sdelay $0x1  }
0x9f: {  	s21 =	simm.s32 $0x1B8B  }
0xa0: {  	_ =	swait.ge [sflag:s21], $0x1  }
0xa1: {  	[sflag:s21] =	ssyncset.done $0x0  }
0xa2: {  	s23 =	simm.s32 $0x1B8E;
	s22 =	sld [smem:$0x3FFE];
	[sflag:s21] =	ssyncadd.s32 $0xFFFFFFFF  }
0xa3: {  	s24 =	simm.s32 $execute0_lowered;
	[smem:$0x3FD2] =	sst s23  }
0xa4: {  	s4 =	sshll.u32 s24, $0x1;
	_ =	strace $0x80000046;
	[dreg:$0x1] =	wrdreg $0xFFFFFFFF  }
0xa5: {  	s25 =	simm.s32 $_size_execute0_lowered;
	s2 =	sadd.s32 s2, s4;
	[dreg:$0x0] =	wrdreg $0x0  }
0xa6: {  	s4 =	sshll.u32 s25, $0x1;
	[dreg:$0x2] =	wrdreg s2  }
0xa7: {  	[dreg:$0x3] =	wrdreg s4  }
0xa8: {  	[dreg:$0x4] =	wrdreg $0xC0  }
0xa9: {  	_ =	task [dreg:s6], $0x5FFFF  }
0xaa: {  	[dreg:$0x1] =	wrdreg $0xFFFFFFFF  }
0xab: {  	[dreg:$0x0] =	wrdreg $0x60  }
0xac: {  	[dreg:$0x2] =	wrdreg s0  }
0xad: {  	[dreg:$0x3] =	wrdreg s22  }
0xae: {  	[dreg:$0x4] =	wrdreg s16  }
0xaf: {  	[dreg:$0x5] =	wrdreg $0x9  }
0xb0: {  	_ =	task.clear_ibuf [dreg:s6], $0x6FFFF;
	_ =	strace $0x90000046  }
0xb1: {  	s26 =	simm.s32 $0x9;
	_ =	strace $0x80000048  }
0xb2: {  	_ =	swait.ge [sflag:s26], $0x1  }
0xb3: {  	[sflag:s26] =	ssyncadd.s32 $0xFFFFFFFF  }
0xb4: {  	_ =	strace $0x90000048  }
0xb5: {  	_ =	sfence  }
0xb6: {  	s28 =	sld [smem:$0x0];
	_ =	sdelay $0x1  }
0xb7: {  	s29 =	srdreg.scid  }
0xb8: {  	s30 =	sshll.u32 s29, $0xD;
	s31 =	sshrl.u32 s29, $0x2  }
0xb9: {  	s1 =	sand.u32 $0x1, s29;
	s2 =	sand.u32 $0x4000, s30;
	s0 =	sadd.s32 s31, s28  }
0xba: {  	s1 =	sor.u32 s2, s1;
	s0 =	sshll.u32 s0, $0x11  }
0xbb: {  	s0 =	sor.u32 s0, s1  }
0xbc: {  	s0 =	sadd.s32 $0x8F2B, s0  }
0xbd: {  	[sflag:s0] =	ssyncadd.remote.s32 $0x1  }
0xbe: {  	_ =	sfence.sel $0xFFFF  }
0xbf: {  	[dreg:$0x0] =	wrdreg $0xFFFFFFFF;
	(pc) =	sbr.abs _section_cstart, $3  }
0xc0: {  	[dreg:$0x1] =	wrdreg $0xFFFFFFFF  }
0xc1: {  	_ =	task.clear_ibuf [dreg:s6], $0x2FFFF;
	_ =	strace $0x9FFFFFFF  }
0xc2: {  	(tm) =	ssettm $0x7FFFFFFF  }
0xc3: {  	_ =	shalt  }
tec
execute0_lowered:
.L_overlay_start_1:
0x0: {  	(tag) =	ssettag $0x1  }
0x1: {  	s0 =	rddreg [dreg:$0x0]  }
0x2: {  	s1 =	rddreg [dreg:$0x1]  }
0x3: {  	s2 =	rddreg [dreg:$0x2];
	s4 =	simm.s32 $0x0  }
0x4: {  	s31 =	stileid.u32;
	[smem:$0x7FF] =	sst s4  }
0x5: {  	s3 =	rddreg [dreg:$0x3];
	p0 =	sne.s32 s31, $0x0;
	_ =	strace $0x80000047  }
0x6: {  	_ =	sfence.sel @p0 $0x180000  }
0x7: {  	[bflag:$0x0] =	sbarrier.arrive @p0 $0xFFFF  }
0x8: {  	_ =	strace @p0 $0x90000047  }
0x9: {  	s4 =	simm.s32 @!p0 $0x0;
	[bflag:$0x2] =	sbarrier.arrive @p0 $0xFFFF  }
0xa: {  	[tilespmem:s4], [sflag:$0x1] =	stream.linear.gather @!p0 [hbm4b:s0+s4], $0x1, $0x38;
	[tilespmem:$0x80] =	vst v63  }
0xb: {  	s0 =	simm.s32 @!p0 $0x1  }
0xc: {  	_ =	swait.ge @!p0 [sflag:s0], $0x1  }
0xd: {  	[sflag:s0] =	ssyncset.done @!p0 $0x0  }
0xe: {  	[sflag:s0] =	ssyncadd.s32 @!p0 $0xFFFFFFFF  }
0xf: {  	v0 =	vld @!p0 [tilespmem:$0x0];
	_ =	sdelay $0x4  }
0x10: {  	(v2sf) =	vpush @!p0 v0, $0x0;
	_ =	sdelay $0xe  }
0x11: {  	s4 =	spop @!p0 (v2sf)  }
0x12: {  	s4 =	smul.f32 @!p0 $9.999900000e+04, s4;
	_ =	sdelay $0x1  }
0x13: {  	s5 =	scvt.f32.s32 @!p0 s4;
	_ =	sdelay $0x1  }
0x14: {  	s6 =	scvt.s32.f32 @!p0 s5;
	_ =	sdelay $0x1  }
0x15: {  	s4 =	ssub.f32 @!p0 s4, s6;
	_ =	sdelay $0x1  }
0x16: {  	s6 =	sand.u32 @!p0 $0x1, s5;
	p1 =	seq.f32 @!p0 s4, $5.000000000e-01  }
0x17: {  	p2 =	seq.s32 @!p0 s6, $0x1  }
0x18: {  	p3 =	sgt.f32 @!p0 s4, $5.000000000e-01;
	p1 =	por @!p0 !p1, !p2  }
0x19: {  	p1 =	por @!p0 !p1, !p1  }
0x1a: {  	p1 =	por @!p0 p3, p1  }
0x1b: {  	s4 =	simm.s32 @!p0 $0x1;
	p1 =	por !p1, p0  }
0x1c: {  	s4 =	simm.s32 @p1 $0x0  }
0x1d: {  	s4 =	sadd.s32 @!p0 s5, s4  }
0x1e: {  	s4 =	sshll.u32 @!p0 s4, $0x4  }
0x1f: {  	s1 =	sadd.s32 $0x400, s1;
	s4 =	sand.u32 @!p0 $0x1FFFFFF0, s4  }
0x20: {  	s1 =	sadd.s32 @!p0 s1, s4;
	s4 =	simm.s32 @!p0 $0x1C01  }
0x21: {  	[hbm:s2], [sflag:s4] =	dma.local @!p0 [hbm:s1], $0x10  }
0x22: {  	_ =	swait.ge @!p0 [sflag:s0], $0x10  }
0x23: {  	[sflag:s0] =	ssyncset.done @!p0 $0x0  }
0x24: {  	[sflag:s0] =	ssyncadd.s32 @!p0 $0xFFFFFFF0  }
0x25: {  	_ =	sfence.sel @!p0 $0x180000  }
0x26: {  	[bflag:$0x0] =	sbarrier.arrive @!p0 $0xFFFF  }
0x27: {  	_ =	strace @!p0 $0x90000047  }
0x28: {  	s0 =	sadd.s32 @!p0 $0x100000, s3;
	[bflag:$0x2] =	sbarrier.arrive @!p0 $0xFFFF  }
0x29: {  	[sflag:s0] =	ssyncadd.tile.s32 @!p0 $0x1;
	_ =	shalt  }
.Lfunc_end2:
_tile_overlayer_lowered:
.L_overlay_start_2:
0x2a: {  	(tag) =	ssettag $0x2  }
0x2b: {  	s0 =	rddreg [dreg:$0x0];
	s2 =	stileid.u32  }
0x2c: {  	s1 =	rddreg [dreg:$0x1];
	p0 =	sne.s32 s2, $0x0  }
0x2d: {  	s3 =	rddreg [dreg:$0x2];
	[bflag:$0x3] =	sbarrier.arrive $0xFFFF;
	s2 =	simm.s32 @!p0 $0x1C01  }
0x2e: {  	[timem:s3], [sflag:s2] =	dma.local @!p0 [hbm:s0], s1  }
0x2f: {  	s0 =	simm.s32 @!p0 $0x1  }
0x30: {  	_ =	swait.ge @!p0 [sflag:s0], s1  }
0x31: {  	s1 =	ssub.s32 @!p0 $0x0, s1;
	[sflag:s0] =	ssyncset.done @!p0 $0x0  }
0x32: {  	[sflag:s0] =	ssyncadd.s32 @!p0 s1  }
0x33: {  	[bflag:$0x3] =	sbarrier.arrive $0xFFFF  }
0x34: {  	_ =	shalt  }

</sc_bundles>
